<compile_context>
chip_gen: v7x
topology: tpu7x:2x2x1
jax: 0.10.2.dev20260603
libtpu: 0.0.44.dev20260713+nightly
codegen_flags: <defaults>
</compile_context>

<pallas_src>
import jax
import jax.numpy as jnp
from jax.experimental import pallas as pl
from jax.experimental.pallas import tpu as pltpu
from jax.experimental.pallas import tpu_sc as plsc
from jax import lax
import functools

B, T, IN_CH, CH, ZD, NE = 4, 512, 256, 512, 64, 1024
N = B * T
RB = 1024
HALVES = 1
HH = RB // HALVES


def _lnr(y, eps=1e-5):
    m = y.mean(-1, keepdims=True)
    v = ((y - m) ** 2).mean(-1, keepdims=True)
    return jax.nn.relu((y - m) / jnp.sqrt(v + eps))


def _dot(a, b):
    return jnp.dot(a, b, preferred_element_type=jnp.float32)


def _iq_kernel(x_ref, m_ref, W1_ref, W2_ref, W3_ref, W4_ref, W5_ref, b5_ref,
               emb_ref, z_ref, idx_ref, loss_ref, lemb_v):
    first = pl.program_id(0) == 0

    @pl.when(first)
    def _():
        lemb_v[...] = jnp.log(emb_ref[...])

    lemb = lemb_v[...]
    W1, W2, W3, W4, W5 = (W1_ref[...], W2_ref[...], W3_ref[...], W4_ref[...],
                          W5_ref[...])
    b5 = b5_ref[...]

    part = jnp.zeros((1, 1), jnp.float32)
    for k in range(HALVES):
        sl = pl.ds(k * HH, HH)
        x = x_ref[sl, :]
        h = _lnr(_dot(x, W1))
        h = _lnr(_dot(h, W2))
        h = _lnr(_dot(h, W3))
        h = _lnr(_dot(h, W4))
        z = _dot(h, W5) + b5
        z_ref[sl, :] = z

        zm = jnp.max(z, axis=-1, keepdims=True)
        ze = z - zm
        ez = jnp.exp(ze)
        sez = jnp.sum(ez, axis=-1, keepdims=True)
        p = ze - jnp.log(sez)
        te = jnp.exp(p)

        self_term = jnp.sum(te * p, axis=-1, keepdims=True)
        cross = jax.lax.dot_general(te, lemb,
                                    (((1,), (1,)), ((), ())),
                                    preferred_element_type=jnp.float32)
        div = self_term - cross

        minv = jnp.min(div, axis=-1, keepdims=True)
        lanes = jax.lax.broadcasted_iota(jnp.int32, (HH, NE), 1)
        idx_ref[sl, :] = jnp.min(jnp.where(div == minv, lanes, NE),
                                 axis=-1, keepdims=True)

        part += jnp.sum(minv * m_ref[sl, :], keepdims=True) * (0.25 / B)

    @pl.when(pl.program_id(0) == 0)
    def _():
        loss_ref[...] = jnp.zeros_like(loss_ref)

    loss_ref[...] += part


def kernel(x, masks, W1, g1, be1, W2, g2, be2, W3, g3, be3, W4, g4, be4,
           W5, b5, embedding):
    xf = x.reshape(N, IN_CH)
    mf = masks.reshape(N, 1)

    grid = (N // RB,)
    full = lambda arr: pl.BlockSpec(arr.shape, lambda i: (0,) * arr.ndim)
    rows = lambda c: pl.BlockSpec((RB, c), lambda i: (i, 0))

    args = (xf, mf, W1, W2, W3, W4, W5, b5.reshape(1, ZD), embedding)
    in_specs = [rows(IN_CH), rows(1)] + [full(a) for a in args[2:]]

    z_flat, idx_flat, loss = pl.pallas_call(
        _iq_kernel,
        grid=grid,
        in_specs=in_specs,
        out_specs=[rows(ZD), rows(1), pl.BlockSpec((1, 1), lambda i: (0, 0))],
        out_shape=[jax.ShapeDtypeStruct((N, ZD), jnp.float32),
                   jax.ShapeDtypeStruct((N, 1), jnp.int32),
                   jax.ShapeDtypeStruct((1, 1), jnp.float32)],
        scratch_shapes=[pltpu.VMEM((NE, ZD), jnp.float32)],
    )(*args)

    table128 = jnp.concatenate(
        [embedding, jnp.zeros((NE, 128 - ZD), jnp.float32)], axis=1)
    q_flat = _sc_gather(table128, idx_flat.reshape(N))[:, :ZD]
    return (z_flat.reshape(B, T, ZD), q_flat.reshape(B, T, ZD),
            loss.reshape(()))


def _sc_gather(table, idx):
    info = plsc.get_sparse_core_info()
    nw = info.num_cores * info.num_subcores
    bpw = N // nw
    mesh = plsc.VectorSubcoreMesh(core_axis_name="c", subcore_axis_name="s")

    @functools.partial(
        pl.kernel, mesh=mesh,
        out_type=jax.ShapeDtypeStruct((N, 128), jnp.float32),
        scratch_types=[pltpu.VMEM((bpw,), jnp.int32),
                       pltpu.VMEM((bpw, 128), jnp.float32),
                       pltpu.SemaphoreType.DMA],
    )
    def k(table_hbm, idx_hbm, out_hbm, idx_v, rows_v, sem):
        wid = lax.axis_index("s") * info.num_cores + lax.axis_index("c")
        base = wid * bpw
        pltpu.sync_copy(idx_hbm.at[pl.ds(base, bpw)], idx_v)
        pltpu.async_copy(table_hbm.at[idx_v], rows_v, sem).wait()
        pltpu.sync_copy(rows_v, out_hbm.at[pl.ds(base, bpw)])

    return k(table, idx)

# --- scband reference (transcript-rebuilt; emitter-appended) ---
"""Pipeline reference for scband-info-quantizer-8048768713193 (READ-ONLY COPY).

The authoritative reference and input builder live on the scoring server;
editing this copy changes nothing except your own understanding.
"""

import jax, jax.numpy as jnp
import numpy as np

B, T, IN_CH, CH, ZD, NE = 4, 512, 256, 512, 64, 1024

def layernorm(x, g, b, eps=1e-5):
    m = x.mean(-1, keepdims=True)
    v = ((x - m) ** 2).mean(-1, keepdims=True)
    return (x - m) / jnp.sqrt(v + eps) * g + b

def setup_inputs(seed: int = 0):
    key = jax.random.key(seed)
    ks = jax.random.split(key, 12)
    x = jax.random.normal(ks[0], (B, T, IN_CH), dtype=jnp.float32)
    masks = jnp.ones((B, T), dtype=jnp.float32)
    def lin(k, fan_in, fan_out):
        bound = 1.0 / np.sqrt(fan_in)
        return jax.random.uniform(k, (fan_in, fan_out), minval=-bound, maxval=bound, dtype=jnp.float32)
    W1 = lin(ks[1], IN_CH, CH)
    W2 = lin(ks[2], CH, CH)
    W3 = lin(ks[3], CH, CH)
    W4 = lin(ks[4], CH, CH)
    W5 = lin(ks[5], CH, ZD)
    b5 = jax.random.uniform(ks[6], (ZD,), minval=-1.0/np.sqrt(CH), maxval=1.0/np.sqrt(CH), dtype=jnp.float32)
    g1 = jnp.ones((CH,), jnp.float32); be1 = jnp.zeros((CH,), jnp.float32)
    g2 = jnp.ones((CH,), jnp.float32); be2 = jnp.zeros((CH,), jnp.float32)
    g3 = jnp.ones((CH,), jnp.float32); be3 = jnp.zeros((CH,), jnp.float32)
    g4 = jnp.ones((CH,), jnp.float32); be4 = jnp.zeros((CH,), jnp.float32)
    emb_raw = jax.random.uniform(ks[7], (NE, ZD), minval=0.5, maxval=1.5, dtype=jnp.float32)
    embedding = emb_raw / emb_raw.sum(-1, keepdims=True)
    return {"x": x, "masks": masks, "W1": W1, "g1": g1, "be1": be1, "W2": W2, "g2": g2, "be2": be2, "W3": W3, "g3": g3, "be3": be3, "W4": W4, "g4": g4, "be4": be4, "W5": W5, "b5": b5, "embedding": embedding}

def reference(x, masks, W1, g1, be1, W2, g2, be2, W3, g3, be3, W4, g4, be4, W5, b5, embedding):
    h = jax.nn.relu(layernorm(x @ W1, g1, be1))
    h = jax.nn.relu(layernorm(h @ W2, g2, be2))
    h = jax.nn.relu(layernorm(h @ W3, g3, be3))
    h = jax.nn.relu(layernorm(h @ W4, g4, be4))
    z = h @ W5 + b5
    p = jax.nn.log_softmax(z, axis=-1)
    # codebook forward (KL divergence nearest neighbor)
    x_flat = jax.lax.stop_gradient(p).reshape(-1, ZD)
    t_exp = jnp.exp(x_flat)
    # KL(emb || exp(t)) per pair = sum_d exp(t_d)*(t_d - log(emb_d))
    div = jnp.sum(t_exp * x_flat, axis=-1, keepdims=True) - t_exp @ jnp.log(embedding).T
    indices = jnp.argmin(div.astype(jnp.float32), axis=-1)
    quantized = jnp.take(embedding, indices, axis=0).reshape(p.shape)
    # commitment loss: masked KL(quantized.detach(), p)
    KL = jnp.exp(p) * (p - jnp.log(jax.lax.stop_gradient(quantized)))
    e_latent_loss = (KL.sum(-1) * masks).mean(0).sum()
    loss = 0.25 * e_latent_loss
    q = p + jax.lax.stop_gradient(quantized - p)
    return (z, q, loss)

if __name__ == "__main__":
    import jax
    _d = setup_inputs()
    print(jax.jit(kernel)(*tuple(_d.values())))

</pallas_src>

<mosaic_0001>
#map = affine_map<(d0, d1) -> (0, 0)>
#map1 = affine_map<(d0, d1) -> (0)>
module attributes {stable_mosaic.version = 14 : i64} {
  func.func @k(%arg0: i32, %arg1: i32, %arg2: memref<1024x128xf32, #tpu.memory_space<hbm>>, %arg3: memref<2048xi32, #tpu.memory_space<hbm>>, %arg4: memref<2048x128xf32, #tpu.memory_space<hbm>>, %arg5: memref<64xi32, #tpu.memory_space<vmem>>, %arg6: memref<64x128xf32, #tpu.memory_space<vmem>>, %arg7: memref<!tpu.dma_semaphore, #tpu.memory_space<semaphore_mem>>) attributes {dimension_semantics = [#tpu.dimension_semantics<core_parallel>, #tpu.dimension_semantics<subcore_parallel>], iteration_bounds = array<i64: 2, 16>, scalar_prefetch = 0 : i64, scratch_operands = 3 : i64, tpu.core_type = #tpu.core_type<sc_vector_subcore>, window_params = [{transform_indices = #map}, {transform_indices = #map1}, {transform_indices = #map}]} {
    %mul3A = arith.constant 2 : i32
    %mul3A_0 = arith.muli %arg1, %mul3A : i32
    %add3A = arith.addi %mul3A_0, %arg0 : i32
    %mul3A_1 = arith.constant 64 : i32
    %mul3A_2 = arith.muli %add3A, %mul3A_1 : i32
    "tpu.region"() ({
      %run_scoped3A = tpu.sem_alloc : memref<!tpu.dma_semaphore, #tpu.memory_space<semaphore_mem>>
      %dma_start3A_7 = tpu.memref_slice %arg3[%mul3A_2] : memref<2048xi32, #tpu.memory_space<hbm>> -> memref<64xi32, #tpu.memory_space<hbm>>
      %dma_start3A_8 = tpu.memref_slice %arg3[%mul3A_2] : memref<2048xi32, #tpu.memory_space<hbm>> -> memref<64xi32, #tpu.memory_space<hbm>>
      tpu.enqueue_dma source(%dma_start3A_8 : memref<64xi32, #tpu.memory_space<hbm>>) target(%arg5 : memref<64xi32, #tpu.memory_space<vmem>>) target_semaphore(%run_scoped3A : memref<!tpu.dma_semaphore, #tpu.memory_space<semaphore_mem>>)
      %dma_wait3A_9 = tpu.memref_slice %arg3[%mul3A_2] : memref<2048xi32, #tpu.memory_space<hbm>> -> memref<64xi32, #tpu.memory_space<hbm>>
      %dma_wait3A_10 = tpu.memref_slice %arg3[%mul3A_2] : memref<2048xi32, #tpu.memory_space<hbm>> -> memref<64xi32, #tpu.memory_space<hbm>>
      tpu.wait_dma2 semaphore(%run_scoped3A : memref<!tpu.dma_semaphore, #tpu.memory_space<semaphore_mem>>) src(%dma_wait3A_10 : memref<64xi32, #tpu.memory_space<hbm>>) dst(%arg5 : memref<64xi32, #tpu.memory_space<vmem>>)
      tpu.yield
    }) : () -> ()
    %dma_start3A = arith.constant 0 : i32
    %dma_start3A_3 = arith.constant 0 : i32
    %dma_start3A_4 = tpu.memref_slice %arg2[%dma_start3A, %dma_start3A_3] : memref<1024x128xf32, #tpu.memory_space<hbm>> -> memref<1024x128xf32, #tpu.memory_space<hbm>>
    tpu.enqueue_indirect_dma source(%dma_start3A_4 : memref<1024x128xf32, #tpu.memory_space<hbm>>) target(%arg6 : memref<64x128xf32, #tpu.memory_space<vmem>>) offsets(%arg5 : memref<64xi32, #tpu.memory_space<vmem>>) semaphore(%arg7 : memref<!tpu.dma_semaphore, #tpu.memory_space<semaphore_mem>>)
    %dma_wait3A = arith.constant 0 : i32
    %dma_wait3A_5 = arith.constant 0 : i32
    %dma_wait3A_6 = tpu.memref_slice %arg2[%dma_wait3A, %dma_wait3A_5] : memref<1024x128xf32, #tpu.memory_space<hbm>> -> memref<1024x128xf32, #tpu.memory_space<hbm>>
    tpu.wait_indirect_dma semaphore(%arg7 : memref<!tpu.dma_semaphore, #tpu.memory_space<semaphore_mem>>) src(%dma_wait3A_6 : memref<1024x128xf32, #tpu.memory_space<hbm>>) dst(%arg6 : memref<64x128xf32, #tpu.memory_space<vmem>>)
    "tpu.region"() ({
      %run_scoped3A = tpu.sem_alloc : memref<!tpu.dma_semaphore, #tpu.memory_space<semaphore_mem>>
      %dma_start3A_7 = arith.constant 0 : i32
      %dma_start3A_8 = tpu.memref_slice %arg4[%mul3A_2, %dma_start3A_7] : memref<2048x128xf32, #tpu.memory_space<hbm>> -> memref<64x128xf32, #tpu.memory_space<hbm>>
      %dma_start3A_9 = arith.constant 0 : i32
      %dma_start3A_10 = tpu.memref_slice %arg4[%mul3A_2, %dma_start3A_9] : memref<2048x128xf32, #tpu.memory_space<hbm>> -> memref<64x128xf32, #tpu.memory_space<hbm>>
      tpu.enqueue_dma source(%arg6 : memref<64x128xf32, #tpu.memory_space<vmem>>) target(%dma_start3A_10 : memref<64x128xf32, #tpu.memory_space<hbm>>) target_semaphore(%run_scoped3A : memref<!tpu.dma_semaphore, #tpu.memory_space<semaphore_mem>>)
      %dma_wait3A_11 = arith.constant 0 : i32
      %dma_wait3A_12 = tpu.memref_slice %arg4[%mul3A_2, %dma_wait3A_11] : memref<2048x128xf32, #tpu.memory_space<hbm>> -> memref<64x128xf32, #tpu.memory_space<hbm>>
      %dma_wait3A_13 = arith.constant 0 : i32
      %dma_wait3A_14 = tpu.memref_slice %arg4[%mul3A_2, %dma_wait3A_13] : memref<2048x128xf32, #tpu.memory_space<hbm>> -> memref<64x128xf32, #tpu.memory_space<hbm>>
      tpu.wait_dma2 semaphore(%run_scoped3A : memref<!tpu.dma_semaphore, #tpu.memory_space<semaphore_mem>>) src(%arg6 : memref<64x128xf32, #tpu.memory_space<vmem>>) dst(%dma_wait3A_14 : memref<64x128xf32, #tpu.memory_space<hbm>>)
      tpu.yield
    }) : () -> ()
    return
  }
}

module attributes {stable_mosaic.version = 14 : i64} {
  func.func @_iq_kernel(%arg0: i32, %arg1: memref<1024x256xf32, #tpu.memory_space<vmem>>, %arg2: memref<1024x1xf32, #tpu.memory_space<vmem>>, %arg3: memref<256x512xf32, #tpu.memory_space<vmem>>, %arg4: memref<512x512xf32, #tpu.memory_space<vmem>>, %arg5: memref<512x512xf32, #tpu.memory_space<vmem>>, %arg6: memref<512x512xf32, #tpu.memory_space<vmem>>, %arg7: memref<512x64xf32, #tpu.memory_space<vmem>>, %arg8: memref<1x64xf32, #tpu.memory_space<vmem>>, %arg9: memref<1024x64xf32, #tpu.memory_space<vmem>>, %arg10: memref<1024x64xf32, #tpu.memory_space<vmem>>, %arg11: memref<1024x1xi32, #tpu.memory_space<vmem>>, %arg12: memref<1x1xf32, #tpu.memory_space<vmem>>, %arg13: memref<1024x64xf32, #tpu.memory_space<vmem>>) attributes {dimension_semantics = [#tpu.dimension_semantics<arbitrary>], iteration_bounds = array<i64: 2>, scalar_prefetch = 0 : i64, scratch_operands = 1 : i64, tpu.core_type = #tpu.core_type<tc>, window_params = [{transform_indices = @transform_0, window_bounds = array<i64: 1024, 256>}, {transform_indices = @transform_1, window_bounds = array<i64: 1024, 1>}, {pipeline_mode = #tpu.pipeline_mode<synchronous>, transform_indices = @transform_2, window_bounds = array<i64: 256, 512>}, {pipeline_mode = #tpu.pipeline_mode<synchronous>, transform_indices = @transform_3, window_bounds = array<i64: 512, 512>}, {pipeline_mode = #tpu.pipeline_mode<synchronous>, transform_indices = @transform_4, window_bounds = array<i64: 512, 512>}, {pipeline_mode = #tpu.pipeline_mode<synchronous>, transform_indices = @transform_5, window_bounds = array<i64: 512, 512>}, {pipeline_mode = #tpu.pipeline_mode<synchronous>, transform_indices = @transform_6, window_bounds = array<i64: 512, 64>}, {pipeline_mode = #tpu.pipeline_mode<synchronous>, transform_indices = @transform_7, window_bounds = array<i64: 1, 64>}, {pipeline_mode = #tpu.pipeline_mode<synchronous>, transform_indices = @transform_8, window_bounds = array<i64: 1024, 64>}, {transform_indices = @transform_9, window_bounds = array<i64: 1024, 64>}, {transform_indices = @transform_10, window_bounds = array<i64: 1024, 1>}, {pipeline_mode = #tpu.pipeline_mode<synchronous>, transform_indices = @transform_11, window_bounds = array<i64: 1, 1>}]} {
    %eq3A = arith.constant 0 : i32
    %eq3A_0 = arith.cmpi eq, %arg0, %eq3A : i32
    %convert_element_type3A = arith.extui %eq3A_0 : i1 to i32
    %cond3A = arith.constant 0 : i32
    %cond3A_1 = arith.cmpi ne, %convert_element_type3A, %cond3A : i32
    scf.if %cond3A_1 {
      %get3A_190 = arith.constant 0 : index
      %get3A_191 = arith.constant 0 : index
      %get3A_192 = vector.load %arg9[%get3A_190, %get3A_191] : memref<1024x64xf32, #tpu.memory_space<vmem>>, vector<1024x64xf32>
      %log3A_193 = math.log %get3A_192 : vector<1024x64xf32>
      %swap3A_194 = arith.constant 0 : index
      %swap3A_195 = arith.constant 0 : index
      %swap3A_196 = vector.load %arg13[%swap3A_194, %swap3A_195] : memref<1024x64xf32, #tpu.memory_space<vmem>>, vector<1024x64xf32>
      tpu.vector_store %arg13[%swap3A_194, %swap3A_195], %log3A_193 {strides = array<i32>} : memref<1024x64xf32, #tpu.memory_space<vmem>>, vector<1024x64xf32>,
    } else {
    }
    %get3A = arith.constant 0 : index
    %get3A_2 = arith.constant 0 : index
    %get3A_3 = vector.load %arg13[%get3A, %get3A_2] : memref<1024x64xf32, #tpu.memory_space<vmem>>, vector<1024x64xf32>
    %get3A_4 = arith.constant 0 : index
    %get3A_5 = arith.constant 0 : index
    %get3A_6 = vector.load %arg3[%get3A_4, %get3A_5] : memref<256x512xf32, #tpu.memory_space<vmem>>, vector<256x512xf32>
    %get3A_7 = arith.constant 0 : index
    %get3A_8 = arith.constant 0 : index
    %get3A_9 = vector.load %arg4[%get3A_7, %get3A_8] : memref<512x512xf32, #tpu.memory_space<vmem>>, vector<512x512xf32>
    %get3A_10 = arith.constant 0 : index
    %get3A_11 = arith.constant 0 : index
    %get3A_12 = vector.load %arg5[%get3A_10, %get3A_11] : memref<512x512xf32, #tpu.memory_space<vmem>>, vector<512x512xf32>
    %get3A_13 = arith.constant 0 : index
    %get3A_14 = arith.constant 0 : index
    %get3A_15 = vector.load %arg6[%get3A_13, %get3A_14] : memref<512x512xf32, #tpu.memory_space<vmem>>, vector<512x512xf32>
    %get3A_16 = arith.constant 0 : index
    %get3A_17 = arith.constant 0 : index
    %get3A_18 = vector.load %arg7[%get3A_16, %get3A_17] : memref<512x64xf32, #tpu.memory_space<vmem>>, vector<512x64xf32>
    %get3A_19 = arith.constant 0 : index
    %get3A_20 = arith.constant 0 : index
    %get3A_21 = vector.load %arg8[%get3A_19, %get3A_20] : memref<1x64xf32, #tpu.memory_space<vmem>>, vector<1x64xf32>
    %broadcast_in_dim3A = arith.constant 0.000000e+00 : f32
    %broadcast_in_dim3A_22 = vector.broadcast %broadcast_in_dim3A : f32 to vector<1x1xf32>
    %get3A_23 = arith.constant 0 : index
    %get3A_24 = arith.constant 0 : index
    %get3A_25 = vector.load %arg1[%get3A_23, %get3A_24] : memref<1024x256xf32, #tpu.memory_space<vmem>>, vector<1024x256xf32>
    %dot_general3A = arith.constant dense<0.000000e+00> : vector<1024x512xf32>
    %dot_general3A_26 = tpu.matmul %get3A_25, %get3A_6, %dot_general3A {dimension_numbers = #tpu.dot_dimension_numbers<[1], [0], [0], [1], [0, 0, 1, 1], [], []>, transpose_lhs_hint = false} : vector<1024x256xf32>, vector<256x512xf32>, vector<1024x512xf32> -> vector<1024x512xf32>
    %reduce_sum3A = arith.constant dense<0.000000e+00> : vector<1024xf32>
    %reduce_sum3A_27 = vector.multi_reduction <add>, %dot_general3A_26, %reduce_sum3A [1] : vector<1024x512xf32> to vector<1024xf32>
    %broadcast_in_dim3A_28 = vector.shape_cast %reduce_sum3A_27 : vector<1024xf32> to vector<1024x1xf32>
    %div3A = arith.constant 5.120000e+02 : f32
    %div3A_29 = vector.broadcast %div3A : f32 to vector<1024x1xf32>
    %div3A_30 = arith.divf %broadcast_in_dim3A_28, %div3A_29 : vector<1024x1xf32>
    %sub3A = vector.broadcast %div3A_30 : vector<1024x1xf32> to vector<1024x512xf32>
    %sub3A_31 = arith.subf %dot_general3A_26, %sub3A : vector<1024x512xf32>
    %integer_pow3A = arith.mulf %sub3A_31, %sub3A_31 : vector<1024x512xf32>
    %reduce_sum3A_32 = arith.constant dense<0.000000e+00> : vector<1024xf32>
    %reduce_sum3A_33 = vector.multi_reduction <add>, %integer_pow3A, %reduce_sum3A_32 [1] : vector<1024x512xf32> to vector<1024xf32>
    %broadcast_in_dim3A_34 = vector.shape_cast %reduce_sum3A_33 : vector<1024xf32> to vector<1024x1xf32>
    %div3A_35 = arith.constant 5.120000e+02 : f32
    %div3A_36 = vector.broadcast %div3A_35 : f32 to vector<1024x1xf32>
    %div3A_37 = arith.divf %broadcast_in_dim3A_34, %div3A_36 : vector<1024x1xf32>
    %sub3A_38 = vector.broadcast %div3A_30 : vector<1024x1xf32> to vector<1024x512xf32>
    %sub3A_39 = arith.subf %dot_general3A_26, %sub3A_38 : vector<1024x512xf32>
    %add3A = arith.constant 9.99999974E-6 : f32
    %add3A_40 = vector.broadcast %add3A : f32 to vector<1024x1xf32>
    %add3A_41 = arith.addf %div3A_37, %add3A_40 : vector<1024x1xf32>
    %sqrt3A = math.sqrt %add3A_41 : vector<1024x1xf32>
    %div3A_42 = vector.broadcast %sqrt3A : vector<1024x1xf32> to vector<1024x512xf32>
    %div3A_43 = arith.divf %sub3A_39, %div3A_42 : vector<1024x512xf32>
    %max3A = arith.constant 0.000000e+00 : f32
    %max3A_44 = vector.broadcast %max3A : f32 to vector<1024x512xf32>
    %max3A_45 = arith.maximumf %div3A_43, %max3A_44 : vector<1024x512xf32>
    %dot_general3A_46 = arith.constant dense<0.000000e+00> : vector<1024x512xf32>
    %dot_general3A_47 = tpu.matmul %max3A_45, %get3A_9, %dot_general3A_46 {dimension_numbers = #tpu.dot_dimension_numbers<[1], [0], [0], [1], [0, 0, 1, 1], [], []>, transpose_lhs_hint = false} : vector<1024x512xf32>, vector<512x512xf32>, vector<1024x512xf32> -> vector<1024x512xf32>
    %reduce_sum3A_48 = arith.constant dense<0.000000e+00> : vector<1024xf32>
    %reduce_sum3A_49 = vector.multi_reduction <add>, %dot_general3A_47, %reduce_sum3A_48 [1] : vector<1024x512xf32> to vector<1024xf32>
    %broadcast_in_dim3A_50 = vector.shape_cast %reduce_sum3A_49 : vector<1024xf32> to vector<1024x1xf32>
    %div3A_51 = arith.constant 5.120000e+02 : f32
    %div3A_52 = vector.broadcast %div3A_51 : f32 to vector<1024x1xf32>
    %div3A_53 = arith.divf %broadcast_in_dim3A_50, %div3A_52 : vector<1024x1xf32>
    %sub3A_54 = vector.broadcast %div3A_53 : vector<1024x1xf32> to vector<1024x512xf32>
    %sub3A_55 = arith.subf %dot_general3A_47, %sub3A_54 : vector<1024x512xf32>
    %integer_pow3A_56 = arith.mulf %sub3A_55, %sub3A_55 : vector<1024x512xf32>
    %reduce_sum3A_57 = arith.constant dense<0.000000e+00> : vector<1024xf32>
    %reduce_sum3A_58 = vector.multi_reduction <add>, %integer_pow3A_56, %reduce_sum3A_57 [1] : vector<1024x512xf32> to vector<1024xf32>
    %broadcast_in_dim3A_59 = vector.shape_cast %reduce_sum3A_58 : vector<1024xf32> to vector<1024x1xf32>
    %div3A_60 = arith.constant 5.120000e+02 : f32
    %div3A_61 = vector.broadcast %div3A_60 : f32 to vector<1024x1xf32>
    %div3A_62 = arith.divf %broadcast_in_dim3A_59, %div3A_61 : vector<1024x1xf32>
    %sub3A_63 = vector.broadcast %div3A_53 : vector<1024x1xf32> to vector<1024x512xf32>
    %sub3A_64 = arith.subf %dot_general3A_47, %sub3A_63 : vector<1024x512xf32>
    %add3A_65 = arith.constant 9.99999974E-6 : f32
    %add3A_66 = vector.broadcast %add3A_65 : f32 to vector<1024x1xf32>
    %add3A_67 = arith.addf %div3A_62, %add3A_66 : vector<1024x1xf32>
    %sqrt3A_68 = math.sqrt %add3A_67 : vector<1024x1xf32>
    %div3A_69 = vector.broadcast %sqrt3A_68 : vector<1024x1xf32> to vector<1024x512xf32>
    %div3A_70 = arith.divf %sub3A_64, %div3A_69 : vector<1024x512xf32>
    %max3A_71 = arith.constant 0.000000e+00 : f32
    %max3A_72 = vector.broadcast %max3A_71 : f32 to vector<1024x512xf32>
    %max3A_73 = arith.maximumf %div3A_70, %max3A_72 : vector<1024x512xf32>
    %dot_general3A_74 = arith.constant dense<0.000000e+00> : vector<1024x512xf32>
    %dot_general3A_75 = tpu.matmul %max3A_73, %get3A_12, %dot_general3A_74 {dimension_numbers = #tpu.dot_dimension_numbers<[1], [0], [0], [1], [0, 0, 1, 1], [], []>, transpose_lhs_hint = false} : vector<1024x512xf32>, vector<512x512xf32>, vector<1024x512xf32> -> vector<1024x512xf32>
    %reduce_sum3A_76 = arith.constant dense<0.000000e+00> : vector<1024xf32>
    %reduce_sum3A_77 = vector.multi_reduction <add>, %dot_general3A_75, %reduce_sum3A_76 [1] : vector<1024x512xf32> to vector<1024xf32>
    %broadcast_in_dim3A_78 = vector.shape_cast %reduce_sum3A_77 : vector<1024xf32> to vector<1024x1xf32>
    %div3A_79 = arith.constant 5.120000e+02 : f32
    %div3A_80 = vector.broadcast %div3A_79 : f32 to vector<1024x1xf32>
    %div3A_81 = arith.divf %broadcast_in_dim3A_78, %div3A_80 : vector<1024x1xf32>
    %sub3A_82 = vector.broadcast %div3A_81 : vector<1024x1xf32> to vector<1024x512xf32>
    %sub3A_83 = arith.subf %dot_general3A_75, %sub3A_82 : vector<1024x512xf32>
    %integer_pow3A_84 = arith.mulf %sub3A_83, %sub3A_83 : vector<1024x512xf32>
    %reduce_sum3A_85 = arith.constant dense<0.000000e+00> : vector<1024xf32>
    %reduce_sum3A_86 = vector.multi_reduction <add>, %integer_pow3A_84, %reduce_sum3A_85 [1] : vector<1024x512xf32> to vector<1024xf32>
    %broadcast_in_dim3A_87 = vector.shape_cast %reduce_sum3A_86 : vector<1024xf32> to vector<1024x1xf32>
    %div3A_88 = arith.constant 5.120000e+02 : f32
    %div3A_89 = vector.broadcast %div3A_88 : f32 to vector<1024x1xf32>
    %div3A_90 = arith.divf %broadcast_in_dim3A_87, %div3A_89 : vector<1024x1xf32>
    %sub3A_91 = vector.broadcast %div3A_81 : vector<1024x1xf32> to vector<1024x512xf32>
    %sub3A_92 = arith.subf %dot_general3A_75, %sub3A_91 : vector<1024x512xf32>
    %add3A_93 = arith.constant 9.99999974E-6 : f32
    %add3A_94 = vector.broadcast %add3A_93 : f32 to vector<1024x1xf32>
    %add3A_95 = arith.addf %div3A_90, %add3A_94 : vector<1024x1xf32>
    %sqrt3A_96 = math.sqrt %add3A_95 : vector<1024x1xf32>
    %div3A_97 = vector.broadcast %sqrt3A_96 : vector<1024x1xf32> to vector<1024x512xf32>
    %div3A_98 = arith.divf %sub3A_92, %div3A_97 : vector<1024x512xf32>
    %max3A_99 = arith.constant 0.000000e+00 : f32
    %max3A_100 = vector.broadcast %max3A_99 : f32 to vector<1024x512xf32>
    %max3A_101 = arith.maximumf %div3A_98, %max3A_100 : vector<1024x512xf32>
    %dot_general3A_102 = arith.constant dense<0.000000e+00> : vector<1024x512xf32>
    %dot_general3A_103 = tpu.matmul %max3A_101, %get3A_15, %dot_general3A_102 {dimension_numbers = #tpu.dot_dimension_numbers<[1], [0], [0], [1], [0, 0, 1, 1], [], []>, transpose_lhs_hint = false} : vector<1024x512xf32>, vector<512x512xf32>, vector<1024x512xf32> -> vector<1024x512xf32>
    %reduce_sum3A_104 = arith.constant dense<0.000000e+00> : vector<1024xf32>
    %reduce_sum3A_105 = vector.multi_reduction <add>, %dot_general3A_103, %reduce_sum3A_104 [1] : vector<1024x512xf32> to vector<1024xf32>
    %broadcast_in_dim3A_106 = vector.shape_cast %reduce_sum3A_105 : vector<1024xf32> to vector<1024x1xf32>
    %div3A_107 = arith.constant 5.120000e+02 : f32
    %div3A_108 = vector.broadcast %div3A_107 : f32 to vector<1024x1xf32>
    %div3A_109 = arith.divf %broadcast_in_dim3A_106, %div3A_108 : vector<1024x1xf32>
    %sub3A_110 = vector.broadcast %div3A_109 : vector<1024x1xf32> to vector<1024x512xf32>
    %sub3A_111 = arith.subf %dot_general3A_103, %sub3A_110 : vector<1024x512xf32>
    %integer_pow3A_112 = arith.mulf %sub3A_111, %sub3A_111 : vector<1024x512xf32>
    %reduce_sum3A_113 = arith.constant dense<0.000000e+00> : vector<1024xf32>
    %reduce_sum3A_114 = vector.multi_reduction <add>, %integer_pow3A_112, %reduce_sum3A_113 [1] : vector<1024x512xf32> to vector<1024xf32>
    %broadcast_in_dim3A_115 = vector.shape_cast %reduce_sum3A_114 : vector<1024xf32> to vector<1024x1xf32>
    %div3A_116 = arith.constant 5.120000e+02 : f32
    %div3A_117 = vector.broadcast %div3A_116 : f32 to vector<1024x1xf32>
    %div3A_118 = arith.divf %broadcast_in_dim3A_115, %div3A_117 : vector<1024x1xf32>
    %sub3A_119 = vector.broadcast %div3A_109 : vector<1024x1xf32> to vector<1024x512xf32>
    %sub3A_120 = arith.subf %dot_general3A_103, %sub3A_119 : vector<1024x512xf32>
    %add3A_121 = arith.constant 9.99999974E-6 : f32
    %add3A_122 = vector.broadcast %add3A_121 : f32 to vector<1024x1xf32>
    %add3A_123 = arith.addf %div3A_118, %add3A_122 : vector<1024x1xf32>
    %sqrt3A_124 = math.sqrt %add3A_123 : vector<1024x1xf32>
    %div3A_125 = vector.broadcast %sqrt3A_124 : vector<1024x1xf32> to vector<1024x512xf32>
    %div3A_126 = arith.divf %sub3A_120, %div3A_125 : vector<1024x512xf32>
    %max3A_127 = arith.constant 0.000000e+00 : f32
    %max3A_128 = vector.broadcast %max3A_127 : f32 to vector<1024x512xf32>
    %max3A_129 = arith.maximumf %div3A_126, %max3A_128 : vector<1024x512xf32>
    %dot_general3A_130 = arith.constant dense<0.000000e+00> : vector<1024x64xf32>
    %dot_general3A_131 = tpu.matmul %max3A_129, %get3A_18, %dot_general3A_130 {dimension_numbers = #tpu.dot_dimension_numbers<[1], [0], [0], [1], [0, 0, 1, 1], [], []>, transpose_lhs_hint = false} : vector<1024x512xf32>, vector<512x64xf32>, vector<1024x64xf32> -> vector<1024x64xf32>
    %add3A_132 = vector.broadcast %get3A_21 : vector<1x64xf32> to vector<1024x64xf32>
    %add3A_133 = arith.addf %dot_general3A_131, %add3A_132 : vector<1024x64xf32>
    %swap3A = arith.constant 0 : index
    %swap3A_134 = arith.constant 0 : index
    %swap3A_135 = vector.load %arg10[%swap3A, %swap3A_134] : memref<1024x64xf32, #tpu.memory_space<vmem>>, vector<1024x64xf32>
    tpu.vector_store %arg10[%swap3A, %swap3A_134], %add3A_133 {strides = array<i32>} : memref<1024x64xf32, #tpu.memory_space<vmem>>, vector<1024x64xf32>,
    %reduce_max3A = arith.constant dense<0xFF800000> : vector<1024xf32>
    %reduce_max3A_136 = vector.multi_reduction <maximumf>, %add3A_133, %reduce_max3A [1] : vector<1024x64xf32> to vector<1024xf32>
    %broadcast_in_dim3A_137 = vector.shape_cast %reduce_max3A_136 : vector<1024xf32> to vector<1024x1xf32>
    %sub3A_138 = vector.broadcast %broadcast_in_dim3A_137 : vector<1024x1xf32> to vector<1024x64xf32>
    %sub3A_139 = arith.subf %add3A_133, %sub3A_138 : vector<1024x64xf32>
    %exp3A = math.exp %sub3A_139 : vector<1024x64xf32>
    %reduce_sum3A_140 = arith.constant dense<0.000000e+00> : vector<1024xf32>
    %reduce_sum3A_141 = vector.multi_reduction <add>, %exp3A, %reduce_sum3A_140 [1] : vector<1024x64xf32> to vector<1024xf32>
    %broadcast_in_dim3A_142 = vector.shape_cast %reduce_sum3A_141 : vector<1024xf32> to vector<1024x1xf32>
    %log3A = math.log %broadcast_in_dim3A_142 : vector<1024x1xf32>
    %sub3A_143 = vector.broadcast %log3A : vector<1024x1xf32> to vector<1024x64xf32>
    %sub3A_144 = arith.subf %sub3A_139, %sub3A_143 : vector<1024x64xf32>
    %exp3A_145 = math.exp %sub3A_144 : vector<1024x64xf32>
    %mul3A = arith.mulf %exp3A_145, %sub3A_144 : vector<1024x64xf32>
    %reduce_sum3A_146 = arith.constant dense<0.000000e+00> : vector<1024xf32>
    %reduce_sum3A_147 = vector.multi_reduction <add>, %mul3A, %reduce_sum3A_146 [1] : vector<1024x64xf32> to vector<1024xf32>
    %broadcast_in_dim3A_148 = vector.shape_cast %reduce_sum3A_147 : vector<1024xf32> to vector<1024x1xf32>
    %dot_general3A_149 = arith.constant dense<0.000000e+00> : vector<1024x1024xf32>
    %dot_general3A_150 = tpu.matmul %exp3A_145, %get3A_3, %dot_general3A_149 {dimension_numbers = #tpu.dot_dimension_numbers<[1], [1], [0], [0], [0, 0, 1, 0], [], []>, transpose_lhs_hint = false} : vector<1024x64xf32>, vector<1024x64xf32>, vector<1024x1024xf32> -> vector<1024x1024xf32>
    %sub3A_151 = vector.broadcast %broadcast_in_dim3A_148 : vector<1024x1xf32> to vector<1024x1024xf32>
    %sub3A_152 = arith.subf %sub3A_151, %dot_general3A_150 : vector<1024x1024xf32>
    %reduce_min3A = arith.constant dense<0x7F800000> : vector<1024xf32>
    %reduce_min3A_153 = vector.multi_reduction <minimumf>, %sub3A_152, %reduce_min3A [1] : vector<1024x1024xf32> to vector<1024xf32>
    %broadcast_in_dim3A_154 = vector.shape_cast %reduce_min3A_153 : vector<1024xf32> to vector<1024x1xf32>
    %iota3A = tpu.iota {dimensions = array<i32: 1>} : vector<1024x1024xi32>
    %eq3A_155 = vector.broadcast %broadcast_in_dim3A_154 : vector<1024x1xf32> to vector<1024x1024xf32>
    %eq3A_156 = arith.cmpf oeq, %sub3A_152, %eq3A_155 : vector<1024x1024xf32>
    %jit3A = arith.constant 1024 : i32
    %broadcast_in_dim3A_157 = vector.broadcast %jit3A : i32 to vector<1024x1024xi32>
    %select_n3A = arith.select %eq3A_156, %iota3A, %broadcast_in_dim3A_157 : vector<1024x1024xi1>, vector<1024x1024xi32>
    %reduce_min3A_158 = arith.constant dense<2147483647> : vector<1024xi32>
    %reduce_min3A_159 = vector.multi_reduction <minsi>, %select_n3A, %reduce_min3A_158 [1] : vector<1024x1024xi32> to vector<1024xi32>
    %broadcast_in_dim3A_160 = vector.shape_cast %reduce_min3A_159 : vector<1024xi32> to vector<1024x1xi32>
    %swap3A_161 = arith.constant 0 : index
    %swap3A_162 = arith.constant 0 : index
    %swap3A_163 = vector.load %arg11[%swap3A_161, %swap3A_162] : memref<1024x1xi32, #tpu.memory_space<vmem>>, vector<1024x1xi32>
    tpu.vector_store %arg11[%swap3A_161, %swap3A_162], %broadcast_in_dim3A_160 {strides = array<i32>} : memref<1024x1xi32, #tpu.memory_space<vmem>>, vector<1024x1xi32>,
    %get3A_164 = arith.constant 0 : index
    %get3A_165 = arith.constant 0 : index
    %get3A_166 = vector.load %arg2[%get3A_164, %get3A_165] : memref<1024x1xf32, #tpu.memory_space<vmem>>, vector<1024x1xf32>
    %mul3A_167 = arith.mulf %broadcast_in_dim3A_154, %get3A_166 : vector<1024x1xf32>
    %reduce_sum3A_168 = vector.shape_cast %mul3A_167 : vector<1024x1xf32> to vector<1x1024x1xf32>
    %reduce_sum3A_169 = arith.constant dense<0.000000e+00> : vector<1xf32>
    %reduce_sum3A_170 = vector.multi_reduction <add>, %reduce_sum3A_168, %reduce_sum3A_169 [1, 2] : vector<1x1024x1xf32> to vector<1xf32>
    %reduce_sum3A_171 = vector.shape_cast %reduce_sum3A_170 : vector<1xf32> to vector<1x1x1xf32>
    %reduce_sum3A_172 = vector.extract %reduce_sum3A_171[0, 0, 0] : f32 from vector<1x1x1xf32>
    %broadcast_in_dim3A_173 = vector.broadcast %reduce_sum3A_172 : f32 to vector<1x1xf32>
    %mul3A_174 = arith.constant 6.250000e-02 : f32
    %mul3A_175 = vector.broadcast %mul3A_174 : f32 to vector<1x1xf32>
    %mul3A_176 = arith.mulf %broadcast_in_dim3A_173, %mul3A_175 : vector<1x1xf32>
    %add3A_177 = arith.addf %broadcast_in_dim3A_22, %mul3A_176 : vector<1x1xf32>
    %eq3A_178 = arith.constant 0 : i32
    %eq3A_179 = arith.cmpi eq, %arg0, %eq3A_178 : i32
    %convert_element_type3A_180 = arith.extui %eq3A_179 : i1 to i32
    %cond3A_181 = arith.constant 0 : i32
    %cond3A_182 = arith.cmpi ne, %convert_element_type3A_180, %cond3A_181 : i32
    scf.if %cond3A_182 {
      %broadcast_in_dim3A_190 = arith.constant 0.000000e+00 : f32
      %broadcast_in_dim3A_191 = vector.broadcast %broadcast_in_dim3A_190 : f32 to vector<1x1xf32>
      %swap3A_192 = arith.constant 0 : index
      %swap3A_193 = arith.constant 0 : index
      %swap3A_194 = vector.load %arg12[%swap3A_192, %swap3A_193] : memref<1x1xf32, #tpu.memory_space<vmem>>, vector<1x1xf32>
      tpu.vector_store %arg12[%swap3A_192, %swap3A_193], %broadcast_in_dim3A_191 {strides = array<i32>} : memref<1x1xf32, #tpu.memory_space<vmem>>, vector<1x1xf32>,
    } else {
    }
    %get3A_183 = arith.constant 0 : index
    %get3A_184 = arith.constant 0 : index
    %get3A_185 = vector.load %arg12[%get3A_183, %get3A_184] : memref<1x1xf32, #tpu.memory_space<vmem>>, vector<1x1xf32>
    %add3A_186 = arith.addf %get3A_185, %add3A_177 : vector<1x1xf32>
    %swap3A_187 = arith.constant 0 : index
    %swap3A_188 = arith.constant 0 : index
    %swap3A_189 = vector.load %arg12[%swap3A_187, %swap3A_188] : memref<1x1xf32, #tpu.memory_space<vmem>>, vector<1x1xf32>
    tpu.vector_store %arg12[%swap3A_187, %swap3A_188], %add3A_186 {strides = array<i32>} : memref<1x1xf32, #tpu.memory_space<vmem>>, vector<1x1xf32>,
    return
  }
  func.func @transform_0(%arg0: i32) -> (i32, i32) {
    %c0_i32 = arith.constant 0 : i32
    %c0_i32_0 = arith.constant 0 : i32
    return %arg0, %c0_i32 : i32, i32
  }
  func.func @transform_1(%arg0: i32) -> (i32, i32) {
    %c0_i32 = arith.constant 0 : i32
    %c0_i32_0 = arith.constant 0 : i32
    return %arg0, %c0_i32 : i32, i32
  }
  func.func @transform_2(%arg0: i32) -> (i32, i32) {
    %c0_i32 = arith.constant 0 : i32
    %c0_i32_0 = arith.constant 0 : i32
    %c0_i32_1 = arith.constant 0 : i32
    return %c0_i32, %c0_i32_0 : i32, i32
  }
  func.func @transform_3(%arg0: i32) -> (i32, i32) {
    %c0_i32 = arith.constant 0 : i32
    %c0_i32_0 = arith.constant 0 : i32
    %c0_i32_1 = arith.constant 0 : i32
    return %c0_i32, %c0_i32_0 : i32, i32
  }
  func.func @transform_4(%arg0: i32) -> (i32, i32) {
    %c0_i32 = arith.constant 0 : i32
    %c0_i32_0 = arith.constant 0 : i32
    %c0_i32_1 = arith.constant 0 : i32
    return %c0_i32, %c0_i32_0 : i32, i32
  }
  func.func @transform_5(%arg0: i32) -> (i32, i32) {
    %c0_i32 = arith.constant 0 : i32
    %c0_i32_0 = arith.constant 0 : i32
    %c0_i32_1 = arith.constant 0 : i32
    return %c0_i32, %c0_i32_0 : i32, i32
  }
  func.func @transform_6(%arg0: i32) -> (i32, i32) {
    %c0_i32 = arith.constant 0 : i32
    %c0_i32_0 = arith.constant 0 : i32
    %c0_i32_1 = arith.constant 0 : i32
    return %c0_i32, %c0_i32_0 : i32, i32
  }
  func.func @transform_7(%arg0: i32) -> (i32, i32) {
    %c0_i32 = arith.constant 0 : i32
    %c0_i32_0 = arith.constant 0 : i32
    %c0_i32_1 = arith.constant 0 : i32
    return %c0_i32, %c0_i32_0 : i32, i32
  }
  func.func @transform_8(%arg0: i32) -> (i32, i32) {
    %c0_i32 = arith.constant 0 : i32
    %c0_i32_0 = arith.constant 0 : i32
    %c0_i32_1 = arith.constant 0 : i32
    return %c0_i32, %c0_i32_0 : i32, i32
  }
  func.func @transform_9(%arg0: i32) -> (i32, i32) {
    %c0_i32 = arith.constant 0 : i32
    %c0_i32_0 = arith.constant 0 : i32
    return %arg0, %c0_i32 : i32, i32
  }
  func.func @transform_10(%arg0: i32) -> (i32, i32) {
    %c0_i32 = arith.constant 0 : i32
    %c0_i32_0 = arith.constant 0 : i32
    return %arg0, %c0_i32 : i32, i32
  }
  func.func @transform_11(%arg0: i32) -> (i32, i32) {
    %c0_i32 = arith.constant 0 : i32
    %c0_i32_0 = arith.constant 0 : i32
    %c0_i32_1 = arith.constant 0 : i32
    return %c0_i32, %c0_i32_0 : i32, i32
  }
}

</mosaic_0001>

<sc_bundles>
// kernel: kernel.4.cloned.1.call-start
scs
__scs_entry_jumppad:
0x0: {  	(pc) =	sbr.rel $0x88, $3  }
0x1: {  	(tag) =	ssettag $0x0;
	lr =	simm.s32 $0x1  }
0x2: {  	[smem:$0x3F98] =	sst lr;
	_ =	strace $0xD0000000  }
0x3: {  	_ = 	snop  }
0x4: {  	_ = 	snop  }
0x5: {  	_ = 	snop  }
0x6: {  	_ = 	snop  }
0x7: {  	_ = 	snop  }
__scs_overlays_trampoline_lowered:
0x8: {  	[smem:$0x3FA7] =	sst s0  }
0x9: {  	[smem:$0x3FA8] =	sst s1  }
0xa: {  	[smem:$0x3FA9] =	sst s2  }
0xb: {  	[smem:$0x3FAA] =	sst s3  }
0xc: {  	[smem:$0x3FAB] =	sst s4  }
0xd: {  	[smem:$0x3FAC] =	sst s5  }
0xe: {  	[smem:$0x3FAD] =	sst s6  }
0xf: {  	[smem:$0x3FAE] =	sst s7  }
0x10: {  	[smem:$0x3FAF] =	sst s8  }
0x11: {  	[smem:$0x3FB0] =	sst s9;
	s0 =	simm.s32 @!p0 $0x0  }
0x12: {  	s1 =	sld [smem:$0x3F96];
	s0 =	simm.s32 @p0 $0x1  }
0x13: {  	[smem:$0x3FB1] =	sst s0;
	s0 =	simm.s32 @!p1 $0x0  }
0x14: {  	s2 =	sld [smem:$0x3F95];
	s0 =	simm.s32 @p1 $0x1  }
0x15: {  	[smem:$0x3FB2] =	sst s0;
	s0 =	simm.s32 @!p2 $0x0  }
0x16: {  	s3 =	sld [smem:$0x3FDB];
	s0 =	simm.s32 @p2 $0x1  }
0x17: {  	s4 =	simm.s32 $0x1BF5;
	[smem:$0x3FB4] =	sst s0  }
0x18: {  	s0 =	sld [smem:$0x3F97];
	_ =	swait.ge [sflag:s4], $0x0  }
0x19: {  	s7 =	sld [smem:$0x3F98]  }
0x1a: {  	s8 =	sadd.s32 $0xFFFFE003, lr  }
0x1b: {  	s9 =	sadd.s32 $0xFFFFFEF7, lr;
	s5 =	simm.s32 $0xFFFFFFFF;
	p2 =	slt.u32 s8, $0xFFFFF086  }
0x1c: {  	p1 =	slt.u32 s9, $0xF7A;
	s5 =	simm.s32 @!p2 $0x0  }
0x1d: {  	s5 =	simm.s32 @p1 $0x1;
	p0 =	seq.s32 s7, s2  }
0x1e: {  	s7 =	smul.u32 @!p0 $0xF7A, s2;
	p2 =	seq.s32 @!p0 s5, $0x0  }
0x1f: {  	s9 =	smul.u32 $0xF7A, s1;
	s8 =	simm.s32 @!p0 $0x1BF5;
	p2 =	por !p2, p0  }
0x20: {  	[sflag:s8] =	ssyncset.s32 @!p0 $0xFFFFF086;
	s6 =	sadd.s32 @!p0 s3, s7;
	s7 =	simm.s32 @!p0 $0x108  }
0x21: {  	s3 =	sadd.s32 s3, s9;
	s6 =	sadd.s32 @!p0 $0x88, s6;
	s7 =	simm.s32 @p2 $0x1082  }
0x22: {  	[simem:s7], [sflag:s8] =	dma.local @!p0 [hbm:s6], $0xF7A  }
0x23: {  	s9 =	sor.u32 $0xD0000000, s2;
	s6 =	simm.s32 $0x108;
	_ =	swait.ge @!p0 [sflag:s8], $0x0  }
0x24: {  	s3 =	sadd.s32 $0x88, s3;
	s6 =	simm.s32 @!p1 $0x1082;
	[sflag:s4] =	ssyncset.s32 $0xFFFFF086  }
0x25: {  	[simem:s6], [sflag:s4] =	dma.local [hbm:s3], $0xF7A  }
0x26: {  	[smem:$0x3F98] =	sst s1;
	(tag) =	ssettag s2;
	_ =	strace s9  }
0x27: {  	s1 =	sld [smem:$0x3FA8]  }
0x28: {  	s2 =	sld [smem:$0x3FA9]  }
0x29: {  	s4 =	sld [smem:$0x3FAB]  }
0x2a: {  	p0 =	seq.s32 s5, $0x0;
	s5 =	sld [smem:$0x3FAC]  }
0x2b: {  	s6 =	sld [smem:$0x3FAD]  }
0x2c: {  	s7 =	sld [smem:$0x3FAE]  }
0x2d: {  	s3 =	simm.s32 $0x108;
	s8 =	sld [smem:$0x3FAF]  }
0x2e: {  	s3 =	simm.s32 @!p0 $0x1082;
	s9 =	sld [smem:$0x3FB0]  }
0x2f: {  	lr =	sadd.s32 s0, s3;
	s0 =	sld [smem:$0x3FA7]  }
0x30: {  	s3 =	sld [smem:$0x3FAA]  }
0x31: {  	[smem:$0x3FB3] =	sst s10  }
0x32: {  	s10 =	sld [smem:$0x3FB1];
	_ =	sdelay $0x3  }
0x33: {  	p0 =	seq.s32 s10, $0x1;
	s10 =	sld [smem:$0x3FB3];
	_ =	sdelay $0x3  }
0x34: {  	[smem:$0x3FB3] =	sst s10  }
0x35: {  	s10 =	sld [smem:$0x3FB2];
	_ =	sdelay $0x3  }
0x36: {  	p1 =	seq.s32 s10, $0x1;
	s10 =	sld [smem:$0x3FB3];
	_ =	sdelay $0x3  }
0x37: {  	[smem:$0x3FB3] =	sst s10  }
0x38: {  	s10 =	sld [smem:$0x3FB4]  }
0x39: {  	_ = 	snop;
	(pc) =	sbr.ind lr, $3  }
0x3a: {  	_ = 	snop  }
0x3b: {  	_ = 	snop  }
0x3c: {  	p2 =	seq.s32 s10, $0x1;
	s10 =	sld [smem:$0x3FB3]  }
0x3d: {  	_ =	shalt  }
0x3e: {  	_ =	shalt  }
0x3f: {  	_ =	shalt  }
0x40: {  	_ =	shalt  }
0x41: {  	_ =	shalt  }
0x42: {  	_ =	shalt  }
0x43: {  	_ =	shalt  }
0x44: {  	_ =	shalt  }
0x45: {  	_ =	shalt  }
0x46: {  	_ =	shalt  }
0x47: {  	_ =	shalt  }
0x48: {  	_ =	shalt  }
0x49: {  	_ =	shalt  }
0x4a: {  	_ =	shalt  }
0x4b: {  	_ =	shalt  }
0x4c: {  	_ =	shalt  }
0x4d: {  	_ =	shalt  }
0x4e: {  	_ =	shalt  }
0x4f: {  	_ =	shalt  }
0x50: {  	_ =	shalt  }
0x51: {  	_ =	shalt  }
0x52: {  	_ =	shalt  }
0x53: {  	_ =	shalt  }
0x54: {  	_ =	shalt  }
0x55: {  	_ =	shalt  }
0x56: {  	_ =	shalt  }
0x57: {  	_ =	shalt  }
0x58: {  	_ =	shalt  }
0x59: {  	_ =	shalt  }
0x5a: {  	_ =	shalt  }
0x5b: {  	_ =	shalt  }
0x5c: {  	_ =	shalt  }
0x5d: {  	_ =	shalt  }
0x5e: {  	_ =	shalt  }
0x5f: {  	_ =	shalt  }
0x60: {  	_ =	shalt  }
0x61: {  	_ =	shalt  }
0x62: {  	_ =	shalt  }
0x63: {  	_ =	shalt  }
0x64: {  	_ =	shalt  }
0x65: {  	_ =	shalt  }
0x66: {  	_ =	shalt  }
0x67: {  	_ =	shalt  }
0x68: {  	_ =	shalt  }
0x69: {  	_ =	shalt  }
0x6a: {  	_ =	shalt  }
0x6b: {  	_ =	shalt  }
0x6c: {  	_ =	shalt  }
0x6d: {  	_ =	shalt  }
0x6e: {  	_ =	shalt  }
0x6f: {  	_ =	shalt  }
0x70: {  	_ =	shalt  }
0x71: {  	_ =	shalt  }
0x72: {  	_ =	shalt  }
0x73: {  	_ =	shalt  }
0x74: {  	_ =	shalt  }
0x75: {  	_ =	shalt  }
0x76: {  	_ =	shalt  }
0x77: {  	_ =	shalt  }
0x78: {  	_ =	shalt  }
0x79: {  	_ =	shalt  }
0x7a: {  	_ =	shalt  }
0x7b: {  	_ =	shalt  }
0x7c: {  	_ =	shalt  }
0x7d: {  	_ =	shalt  }
0x7e: {  	_ =	shalt  }
0x7f: {  	_ =	shalt  }
0x80: {  	_ =	shalt  }
0x81: {  	_ =	shalt  }
0x82: {  	_ =	shalt  }
0x83: {  	_ =	shalt  }
0x84: {  	_ =	shalt  }
0x85: {  	_ =	shalt  }
0x86: {  	_ =	shalt  }
0x87: {  	_ =	shalt  }
.Lfunc_end0:
.L_simem_size_0:
called_computation_lowered:
.L_overlay_start_0:
0x88: {  	s2 =	sld [smem:$0x3FD9]  }
0x89: {  	s3 =	sld [smem:$0x3FFE];
	_ =	sdelay $0x1  }
0x8a: {  	s1 =	srdreg.scid  }
0x8b: {  	s0 =	sand.u32 $0x1, s1  }
0x8c: {  	s14 =	sshll.u32 s0, $0xA;
	s2 =	sadd.s32 s3, s2  }
0x8d: {  	s2 =	sadd.s32 s2, s14  }
0x8e: {  	[smem:$0x3FBF] =	sst s2  }
0x8f: {  	_ = 	snop  }
0x90: {  	s2 =	sld [smem:$0x3FD0];
	_ =	sdelay $0x2  }
0x91: {  	s15 =	simm.s32 $0xA;
	s4 =	simm.s32 $0x10  }
0x92: {  	[smem:s4], [sflag:s15] =	dma.local [hbm:s2], $0x1  }
0x93: {  	_ =	swait.eq [sflag:s15], $0x1  }
0x94: {  	[sflag:s15] =	ssyncset.done $0x0  }
0x95: {  	[sflag:s15] =	ssyncadd.s32 $0xFFFFFFFF  }
0x96: {  	s16 =	sld [smem:$0x11];
	(tm) =	ssettm $0x1  }
0x97: {  	s17 =	sld [smem:$0x3FFB];
	_ =	sdelay $0x3  }
0x98: {  	_ =	strace s17  }
0x99: {  	s3 =	sld [smem:$0x3FFC];
	_ =	sdelay $0x3  }
0x9a: {  	_ =	strace s3  }
0x9b: {  	s3 =	sld [smem:$0x3FFD];
	_ =	sdelay $0x3  }
0x9c: {  	_ =	strace s3  }
0x9d: {  	_ =	strace $0x8FFFFFFF  }
0x9e: {  	s18 =	sld [smem:$0x3FDB];
	_ =	sdelay $0x1  }
0x9f: {  	s19 =	simm.s32 $_scs_section_size  }
0xa0: {  	s5 =	simm.s32 $_size__tile_overlayer_lowered;
	s6 =	simm.s32 $_tile_overlayer_lowered  }
0xa1: {  	s22 =	simm.s32 $0x1BFF;
	s21 =	sshll.u32 s6, $0x1;
	s3 =	sadd.s32 s19, s18  }
0xa2: {  	s7 =	simm.s32 $0x0;
	s20 =	sshll.u32 s5, $0x1;
	s5 =	sadd.s32 s21, s3  }
0xa3: {  	[timem:s7], [sflag:s22] =	dma.local [hbm:s5], s20  }
0xa4: {  	_ =	swait.ge [sflag:s22], s20  }
0xa5: {  	s4 =	ssub.s32 $0x0, s20;
	[sflag:s22] =	ssyncset.done $0x0  }
0xa6: {  	[sflag:s22] =	ssyncadd.s32 s4;
	_ =	sdelay $0x1  }
0xa7: {  	s23 =	simm.s32 $0x1B8B  }
0xa8: {  	_ =	swait.ge [sflag:s23], $0x1  }
0xa9: {  	[sflag:s23] =	ssyncset.done $0x0  }
0xaa: {  	s25 =	simm.s32 $0x1B8E;
	s24 =	sld [smem:$0x3FFE];
	[sflag:s23] =	ssyncadd.s32 $0xFFFFFFFF  }
0xab: {  	s26 =	simm.s32 $execute0_lowered;
	[smem:$0x3FD2] =	sst s25  }
0xac: {  	s5 =	sshll.u32 s26, $0x1;
	_ =	strace $0x80000046;
	[dreg:$0x1] =	wrdreg $0xFFFFFFFF  }
0xad: {  	s28 =	simm.s32 $_size_execute0_lowered;
	s3 =	sadd.s32 s3, s5;
	[dreg:$0x0] =	wrdreg $0x0  }
0xae: {  	s5 =	sshll.u32 s28, $0x1;
	[dreg:$0x2] =	wrdreg s3  }
0xaf: {  	[dreg:$0x3] =	wrdreg s5  }
0xb0: {  	[dreg:$0x4] =	wrdreg $0xC0  }
0xb1: {  	_ =	task [dreg:s7], $0x5FFFF  }
0xb2: {  	[dreg:$0x1] =	wrdreg $0xFFFFFFFF  }
0xb3: {  	[dreg:$0x0] =	wrdreg $0x60  }
0xb4: {  	[dreg:$0x2] =	wrdreg s16  }
0xb5: {  	[dreg:$0x3] =	wrdreg s24  }
0xb6: {  	[dreg:$0x4] =	wrdreg $0x9  }
0xb7: {  	_ =	task.clear_ibuf [dreg:s7], $0x5FFFF;
	_ =	strace $0x90000046  }
0xb8: {  	s29 =	simm.s32 $0x9;
	_ =	strace $0x80000048  }
0xb9: {  	_ =	swait.ge [sflag:s29], $0x1  }
0xba: {  	[sflag:s29] =	ssyncadd.s32 $0xFFFFFFFF  }
0xbb: {  	_ =	strace $0x90000048  }
0xbc: {  	_ =	sfence  }
0xbd: {  	s30 =	sld [smem:$0x0];
	_ =	sdelay $0x2  }
0xbe: {  	s31 =	sshll.u32 s1, $0xD;
	s1 =	sshrl.u32 s1, $0x2  }
0xbf: {  	s3 =	sand.u32 $0x4000, s31;
	s1 =	sadd.s32 s1, s30  }
0xc0: {  	s0 =	sor.u32 s3, s0;
	s1 =	sshll.u32 s1, $0x11  }
0xc1: {  	s0 =	sor.u32 s1, s0  }
0xc2: {  	s0 =	sadd.s32 $0x8F2B, s0  }
0xc3: {  	[sflag:s0] =	ssyncadd.remote.s32 $0x1  }
0xc4: {  	_ =	sfence.sel $0xFFFF  }
0xc5: {  	[dreg:$0x0] =	wrdreg $0xFFFFFFFF;
	(pc) =	sbr.abs _section_cstart, $3  }
0xc6: {  	[dreg:$0x1] =	wrdreg $0xFFFFFFFF  }
0xc7: {  	_ =	task.clear_ibuf [dreg:s7], $0x2FFFF;
	_ =	strace $0x9FFFFFFF  }
0xc8: {  	(tm) =	ssettm $0x7FFFFFFF  }
0xc9: {  	_ =	shalt  }
tec
execute0_lowered:
.L_overlay_start_1:
0x0: {  	(tag) =	ssettag $0x1  }
0x1: {  	s1 =	srdreg.scid  }
0x2: {  	s0 =	stileid.u32;
	s2 =	rddreg [dreg:$0x0];
	s6 =	sand.u32 $0x1, s1  }
0x3: {  	s9 =	rddreg [dreg:$0x1];
	s30 =	sshll.u32 s0, $0x7;
	s3 =	sshll.u32 s6, $0x6  }
0x4: {  	s7 =	simm.s32 $0x80;
	s8 =	simm.s32 $0x1;
	s10 =	sor.u32 s3, s30  }
0x5: {  	s1 =	rddreg [dreg:$0x2];
	s3 =	simm.s32 $0x0;
	s4 =	sshrl.u32 s10, $0x3  }
0x6: {  	s11 =	ssub.s32 $0x2, s6;
	[smem:$0x7FF] =	sst s3;
	s4 =	sadd.s32 s4, s9  }
0x7: {  	_ =	strace $0x80000047;
	s5 =	sadd.s32 $0xE00, s4;
	s4 =	simm.s32 $0x2  }
0x8: {  	[tilespmem:s3], [sflag:$0x2] =	stream.linear.gather [hbm4b:s5+s3], $0x40, $0x38;
	[tilespmem:$0x2080] =	vst v63  }
0x9: {  	s6 =	simm.s32 $0x40;
	s12 =	sshrl.u32 s11, $0x1;
	_ =	swait.ge [sflag:s4], $0x40  }
0xa: {  	s10 =	sshll.u32 s10, $0x4;
	s31 =	ssub.s32 s11, s12;
	[sflag:s4] =	ssyncset.done $0x0  }
0xb: {  	s9 =	sadd.s32 s10, s9;
	s10 =	smax.u32 s31, $0x1;
	[sflag:s4] =	ssyncadd.s32 $0xFFFFFFC0  }
0xc: {  	[tilespmem:s7], [sflag:$0x1] =	stream.indirect.gather [hbm4b:s2+s6], $0x80, s3, s6, $0xb8;
	[tilespmem:$0x2080] =	vst v63  }
0xd: {  	p0 =	sne.s32 s10, $0x1;
	_ =	swait.ge [sflag:s8], $0x2000  }
.Ltmp0:
0xe: {  	[sflag:s8] =	ssyncset.done $0x0;
	(pc) =	sbr.rel @!p0 .LBB2_2-.Ltmp0, $4  }
0xf: {  	s9 =	sadd.s32 $0x1000, s9;
	[sflag:s8] =	ssyncadd.s32 $0xFFFFE000  }
0x10: {  	[hbm4b:s9+s3] =	stream.linear.scatter [tilespmem:s7], [sflag:$0x2], $0x2000, $0x38;
	[tilespmem:$0x2080] =	vst v63  }
0x11: {  	_ =	swait.ge [sflag:s4], $0x2000  }
0x12: {  	s10 =	sadd.s32 $0xFFFFFFFF, s10;
	[sflag:s4] =	ssyncset.done $0x0  }
.LBB2_1:
0x13: {  	p0 =	sne.s32 s10, $0x1;
	s10 =	sadd.s32 $0xFFFFFFFF, s10;
	[sflag:s4] =	ssyncadd.s32 $0xFFFFE000  }
0x14: {  	[tilespmem:s3], [sflag:$0x2] =	stream.linear.gather [hbm4b:s5+s3], $0x40, $0x38;
	[tilespmem:$0x2080] =	vst v63  }
0x15: {  	_ =	swait.ge [sflag:s4], $0x40  }
0x16: {  	[sflag:s4] =	ssyncset.done $0x0  }
0x17: {  	[sflag:s4] =	ssyncadd.s32 $0xFFFFFFC0  }
0x18: {  	[tilespmem:s7], [sflag:$0x1] =	stream.indirect.gather [hbm4b:s2+s6], $0x80, s3, s6, $0xb8;
	[tilespmem:$0x2080] =	vst v63  }
0x19: {  	_ =	swait.ge [sflag:s8], $0x2000  }
.Ltmp1:
0x1a: {  	[sflag:s8] =	ssyncset.done $0x0;
	(pc) =	sbr.rel @p0 .LBB2_1-.Ltmp1, $4  }
0x1b: {  	[sflag:s8] =	ssyncadd.s32 $0xFFFFE000  }
0x1c: {  	[hbm4b:s9+s3] =	stream.linear.scatter [tilespmem:s7], [sflag:$0x2], $0x2000, $0x38;
	[tilespmem:$0x2080] =	vst v63  }
0x1d: {  	_ =	swait.ge [sflag:s4], $0x2000  }
0x1e: {  	[sflag:s4] =	ssyncset.done $0x0  }
.LBB2_2:
0x1f: {  	[sflag:s4] =	ssyncadd.s32 $0xFFFFE000  }
0x20: {  	_ =	sfence.sel $0x180000  }
0x21: {  	[bflag:$0x0] =	sbarrier.arrive $0xFFFF  }
0x22: {  	p0 =	sne.s32 s0, $0x0;
	_ =	strace $0x90000047  }
0x23: {  	s0 =	sadd.s32 @!p0 $0x100000, s1;
	[bflag:$0x2] =	sbarrier.arrive $0xFFFF  }
0x24: {  	[sflag:s0] =	ssyncadd.tile.s32 @!p0 $0x1;
	_ =	shalt  }
.Lfunc_end2:
_tile_overlayer_lowered:
.L_overlay_start_2:
0x25: {  	(tag) =	ssettag $0x2  }
0x26: {  	s0 =	rddreg [dreg:$0x0];
	s2 =	stileid.u32  }
0x27: {  	s1 =	rddreg [dreg:$0x1];
	p0 =	sne.s32 s2, $0x0  }
0x28: {  	s3 =	rddreg [dreg:$0x2];
	[bflag:$0x3] =	sbarrier.arrive $0xFFFF;
	s2 =	simm.s32 @!p0 $0x1C02  }
0x29: {  	[timem:s3], [sflag:s2] =	dma.local @!p0 [hbm:s0], s1  }
0x2a: {  	s0 =	simm.s32 @!p0 $0x2  }
0x2b: {  	_ =	swait.ge @!p0 [sflag:s0], s1  }
0x2c: {  	s1 =	ssub.s32 @!p0 $0x0, s1;
	[sflag:s0] =	ssyncset.done @!p0 $0x0  }
0x2d: {  	[sflag:s0] =	ssyncadd.s32 @!p0 s1  }
0x2e: {  	[bflag:$0x3] =	sbarrier.arrive $0xFFFF  }
0x2f: {  	_ =	shalt  }

</sc_bundles>
